<compile_context>
chip_gen: v7x
topology: tpu7x:2x2x1
jax: 0.10.2.dev20260603
libtpu: 0.0.44.dev20260713+nightly
codegen_flags: <defaults>
</compile_context>

<pallas_src>
import functools

import jax
import jax.numpy as jnp
from jax import lax
from jax.experimental import pallas as pl
from jax.experimental.pallas import tpu as pltpu
from jax.experimental.pallas import tpu_sc as plsc

B = 16384
C = 1000
A = 512
K = 10
NC = 2
NS = 16
NW = NC * NS
RB = B // NW
AB = A // NW
L = 16

TR = 1024
TG = B // TR


def _sc_body(y_hbm, pos_hbm, neigh_hbm, w_out, pos_out,
             y_v, pos_v, neigh16_v, sp_v, wt_v):
    wid = lax.axis_index("s") * NC + lax.axis_index("c")
    base = wid * RB
    pltpu.sync_copy(y_hbm.at[pl.ds(base, RB)], y_v)
    pltpu.sync_copy(pos_hbm, pos_v.at[pl.ds(0, C)])
    pltpu.sync_copy(neigh_hbm.at[pl.ds(wid * AB * K, AB * K)],
                    neigh16_v.at[pl.ds(0, AB * K)])

    lane = lax.broadcasted_iota(jnp.int32, (L,), 0)

    def rows(j, _):
        off = j * L
        yv = y_v[pl.ds(off, L)]
        sp_v[pl.ds(off, L)] = plsc.load_gather(pos_v, [yv])
        return 0

    lax.fori_loop(0, RB // L, rows, 0)

    def zero(j, _):
        off = jnp.minimum(j * L, C - L)
        for a in range(AB):
            wt_v[a, pl.ds(off, L)] = jnp.zeros((L,), jnp.float32)
        return 0

    lax.fori_loop(0, (C + L - 1) // L, zero, 0)

    ones = jnp.ones((L,), jnp.float32)
    for k in range(K):
        nk = plsc.load_gather(neigh16_v, [lane * K + k])
        plsc.addupdate_scatter(wt_v, [lane, nk], ones)

    pltpu.sync_copy(wt_v, w_out.at[pl.ds(wid * AB, AB)])
    pltpu.sync_copy(sp_v, pos_out.at[wid])


def _sc_stage(y, pos, neigh):
    mesh = plsc.VectorSubcoreMesh(core_axis_name="c", subcore_axis_name="s",
                                  num_cores=NC, num_subcores=NS)
    f = functools.partial(
        pl.kernel, _sc_body, mesh=mesh,
        compiler_params=pltpu.CompilerParams(needs_layout_passes=False),
        out_type=[
            jax.ShapeDtypeStruct((A, C), jnp.float32),
            jax.ShapeDtypeStruct((NW, RB), jnp.int32),
        ],
        scratch_types=[
            pltpu.VMEM((RB,), jnp.int32),
            pltpu.VMEM((1024,), jnp.int32),
            pltpu.VMEM((256,), jnp.int32),
            pltpu.VMEM((RB,), jnp.int32),
            pltpu.VMEM((AB, C), jnp.float32),
        ],
    )()
    return f(y, pos, neigh)


def _tc_body(x_ref, y_ref, pos_ref, w_hbm, out_ref, w_vmem, wsem):
    pid = pl.program_id(0)

    @pl.when(pid == 0)
    def _():
        pltpu.make_async_copy(w_hbm, w_vmem, wsem).start()
        pltpu.make_async_copy(w_hbm, w_vmem, wsem).wait()

    xb = x_ref[...]
    yb = y_ref[0, 0, :]
    posb = pos_ref[0, 0, :]
    spb = jnp.maximum(posb, 0)
    maskb = jnp.where(posb >= 0, 1.0, 0.0)
    wbf = w_vmem[...].astype(jnp.bfloat16)

    m = jnp.max(xb, axis=1)
    e = jnp.exp(xb - m[:, None])

    acol = lax.broadcasted_iota(jnp.int32, (TR, A), 1)
    ohs = jnp.where(acol == spb[:, None], maskb[:, None], 0.0)
    v = lax.dot_general(ohs.astype(jnp.bfloat16), wbf,
                        (((1,), (0,)), ((), ())),
                        preferred_element_type=jnp.float32)
    col = lax.broadcasted_iota(jnp.int32, (TR, C), 1)
    u = v + jnp.where(col == yb[:, None], 1.0, 0.0)
    p = e * u

    ones2 = jnp.ones((C, 8), jnp.float32)
    s8 = lax.dot_general(e, ones2, (((1,), (0,)), ((), ())),
                         preferred_element_type=jnp.float32)
    n8 = lax.dot_general(p, ones2, (((1,), (0,)), ((), ())),
                         preferred_element_type=jnp.float32)
    loss = jnp.log(s8[:, 0]) - jnp.log(n8[:, 0])
    blk = jnp.sum(loss) * (1.0 / B)

    @pl.when(pid == 0)
    def _():
        out_ref[0, 0] = 0.0

    out_ref[0, 0] += blk


def kernel(x, y, ANs_position, ANs_neighbours):
    w, pg = _sc_stage(y, ANs_position, ANs_neighbours.reshape(A * K))
    y3 = y.reshape(TG, 1, TR)
    pg3 = pg.reshape(TG, 1, TR)
    out = pl.pallas_call(
        _tc_body,
        grid=(TG,),
        in_specs=[
            pl.BlockSpec((TR, C), lambda i: (i, 0)),
            pl.BlockSpec((1, 1, TR), lambda i: (i, 0, 0)),
            pl.BlockSpec((1, 1, TR), lambda i: (i, 0, 0)),
            pl.BlockSpec(memory_space=pltpu.MemorySpace.HBM),
        ],
        out_specs=pl.BlockSpec(memory_space=pltpu.MemorySpace.SMEM,
                               block_shape=(1, 1), index_map=lambda i: (0, 0)),
        out_shape=jax.ShapeDtypeStruct((1, 1), jnp.float32),
        compiler_params=pltpu.CompilerParams(
            dimension_semantics=("arbitrary",),
        ),
        scratch_shapes=[
            pltpu.VMEM((A, C), jnp.float32),
            pltpu.SemaphoreType.DMA,
        ],
    )(x, y3, pg3, w)
    return out[0, 0]

# --- scband reference (transcript-rebuilt; emitter-appended) ---
"""Pipeline reference for scband-criterion-50869592654092 (READ-ONLY COPY).

The authoritative reference and input builder live on the scoring server;
editing this copy changes nothing except your own understanding.
"""

import jax, jax.numpy as jnp
import numpy as np

B = 16384   # batch
C = 1000    # num classes
A = 512     # num anchor rows in ANs.neighbours
K = 10      # neighbours per anchor


def setup_inputs(seed: int = 0) -> dict:
    key = jax.random.key(seed)
    k1, k2, k3, k4 = jax.random.split(key, 4)
    x = jax.random.normal(k1, (B, C), dtype=jnp.float32)
    y = jax.random.randint(k2, (B,), 0, C, dtype=jnp.int32)
    # ANs.position: maps class -> anchor row (>=0) or -1 (instance-only class)
    ANs_position = jax.random.randint(k3, (C,), -1, A, dtype=jnp.int32)
    # ANs.neighbours: [A, K] class indices
    ANs_neighbours = jax.random.randint(k4, (A, K), 0, C, dtype=jnp.int32)
    return {"x": x, "y": y, "ANs_position": ANs_position, "ANs_neighbours": ANs_neighbours}


def reference(x, y, ANs_position, ANs_neighbours):
    batch_size = x.shape[0]
    preds = jax.nn.softmax(x, axis=1)
    # split: pos = ANs.position[y]; anchors are pos >= 0, instances pos < 0.
    pos = jnp.take(ANs_position, y, axis=0)              # [B]
    is_anchor = pos >= 0                                  # [B]
    safe_pos = jnp.where(is_anchor, pos, 0)               # [B]
    neighbours = jnp.take(ANs_neighbours, safe_pos, axis=0)  # [B, K]
    # p(y_i | x_i)
    p_y = jnp.take_along_axis(preds, y[:, None], axis=1)[:, 0]   # [B]
    # sum of neighbour probabilities
    p_neigh = jnp.take_along_axis(preds, neighbours, axis=1).sum(axis=1)  # [B]
    # anchor loss: -log(p_y + sum p_neighbours); instance loss: -log(p_y)
    loss_anchor = -jnp.log(p_y + p_neigh)
    loss_inst = -jnp.log(p_y)
    loss = jnp.where(is_anchor, loss_anchor, loss_inst).sum()
    return loss / batch_size

if __name__ == "__main__":
    import jax
    _d = setup_inputs()
    print(jax.jit(kernel)(*tuple(_d.values())))

</pallas_src>

<mosaic_0001>
#map = affine_map<(d0, d1) -> (0)>
#map1 = affine_map<(d0, d1) -> (0, 0)>
module attributes {stable_mosaic.version = 14 : i64} {
  func.func @_sc_body(%arg0: i32, %arg1: i32, %arg2: memref<16384xi32, #tpu.memory_space<hbm>>, %arg3: memref<1000xi32, #tpu.memory_space<hbm>>, %arg4: memref<5120xi32, #tpu.memory_space<hbm>>, %arg5: memref<512x1000xf32, #tpu.memory_space<hbm>>, %arg6: memref<32x512xi32, #tpu.memory_space<hbm>>, %arg7: memref<512xi32, #tpu.memory_space<vmem>>, %arg8: memref<1024xi32, #tpu.memory_space<vmem>>, %arg9: memref<256xi32, #tpu.memory_space<vmem>>, %arg10: memref<512xi32, #tpu.memory_space<vmem>>, %arg11: memref<16x1000xf32, #tpu.memory_space<vmem>>) attributes {dimension_semantics = [#tpu.dimension_semantics<core_parallel>, #tpu.dimension_semantics<subcore_parallel>], iteration_bounds = array<i64: 2, 16>, scalar_prefetch = 0 : i64, scratch_operands = 5 : i64, tpu.core_type = #tpu.core_type<sc_vector_subcore>, window_params = [{transform_indices = #map}, {transform_indices = #map}, {transform_indices = #map}, {transform_indices = #map1}, {transform_indices = #map1}]} {
    %mul3A = arith.constant 2 : i32
    %mul3A_0 = arith.muli %arg1, %mul3A : i32
    %add3A = arith.addi %mul3A_0, %arg0 : i32
    %mul3A_1 = arith.constant 512 : i32
    %mul3A_2 = arith.muli %add3A, %mul3A_1 : i32
    "tpu.region"() ({
      %run_scoped3A = tpu.sem_alloc : memref<!tpu.dma_semaphore, #tpu.memory_space<semaphore_mem>>
      %dma_start3A = tpu.memref_slice %arg2[%mul3A_2] : memref<16384xi32, #tpu.memory_space<hbm>> -> memref<512xi32, #tpu.memory_space<hbm>>
      %dma_start3A_92 = tpu.memref_slice %arg2[%mul3A_2] : memref<16384xi32, #tpu.memory_space<hbm>> -> memref<512xi32, #tpu.memory_space<hbm>>
      tpu.enqueue_dma source(%dma_start3A_92 : memref<512xi32, #tpu.memory_space<hbm>>) target(%arg7 : memref<512xi32, #tpu.memory_space<vmem>>) target_semaphore(%run_scoped3A : memref<!tpu.dma_semaphore, #tpu.memory_space<semaphore_mem>>)
      %dma_wait3A = tpu.memref_slice %arg2[%mul3A_2] : memref<16384xi32, #tpu.memory_space<hbm>> -> memref<512xi32, #tpu.memory_space<hbm>>
      %dma_wait3A_93 = tpu.memref_slice %arg2[%mul3A_2] : memref<16384xi32, #tpu.memory_space<hbm>> -> memref<512xi32, #tpu.memory_space<hbm>>
      tpu.wait_dma2 semaphore(%run_scoped3A : memref<!tpu.dma_semaphore, #tpu.memory_space<semaphore_mem>>) src(%dma_wait3A_93 : memref<512xi32, #tpu.memory_space<hbm>>) dst(%arg7 : memref<512xi32, #tpu.memory_space<vmem>>)
      tpu.yield
    }) : () -> ()
    "tpu.region"() ({
      %run_scoped3A = tpu.sem_alloc : memref<!tpu.dma_semaphore, #tpu.memory_space<semaphore_mem>>
      %dma_start3A = arith.constant 0 : i32
      %dma_start3A_92 = tpu.memref_slice %arg8[%dma_start3A] : memref<1024xi32, #tpu.memory_space<vmem>> -> memref<1000xi32, #tpu.memory_space<vmem>>
      %dma_start3A_93 = arith.constant 0 : i32
      %dma_start3A_94 = tpu.memref_slice %arg8[%dma_start3A_93] : memref<1024xi32, #tpu.memory_space<vmem>> -> memref<1000xi32, #tpu.memory_space<vmem>>
      tpu.enqueue_dma source(%arg3 : memref<1000xi32, #tpu.memory_space<hbm>>) target(%dma_start3A_94 : memref<1000xi32, #tpu.memory_space<vmem>>) target_semaphore(%run_scoped3A : memref<!tpu.dma_semaphore, #tpu.memory_space<semaphore_mem>>)
      %dma_wait3A = arith.constant 0 : i32
      %dma_wait3A_95 = tpu.memref_slice %arg8[%dma_wait3A] : memref<1024xi32, #tpu.memory_space<vmem>> -> memref<1000xi32, #tpu.memory_space<vmem>>
      %dma_wait3A_96 = arith.constant 0 : i32
      %dma_wait3A_97 = tpu.memref_slice %arg8[%dma_wait3A_96] : memref<1024xi32, #tpu.memory_space<vmem>> -> memref<1000xi32, #tpu.memory_space<vmem>>
      tpu.wait_dma2 semaphore(%run_scoped3A : memref<!tpu.dma_semaphore, #tpu.memory_space<semaphore_mem>>) src(%arg3 : memref<1000xi32, #tpu.memory_space<hbm>>) dst(%dma_wait3A_97 : memref<1000xi32, #tpu.memory_space<vmem>>)
      tpu.yield
    }) : () -> ()
    %mul3A_3 = arith.constant 16 : i32
    %mul3A_4 = arith.muli %add3A, %mul3A_3 : i32
    %mul3A_5 = arith.constant 10 : i32
    %mul3A_6 = arith.muli %mul3A_4, %mul3A_5 : i32
    "tpu.region"() ({
      %run_scoped3A = tpu.sem_alloc : memref<!tpu.dma_semaphore, #tpu.memory_space<semaphore_mem>>
      %dma_start3A = arith.constant 0 : i32
      %dma_start3A_92 = tpu.memref_slice %arg9[%dma_start3A] : memref<256xi32, #tpu.memory_space<vmem>> -> memref<160xi32, #tpu.memory_space<vmem>>
      %dma_start3A_93 = tpu.memref_slice %arg4[%mul3A_6] : memref<5120xi32, #tpu.memory_space<hbm>> -> memref<160xi32, #tpu.memory_space<hbm>>
      %dma_start3A_94 = arith.constant 0 : i32
      %dma_start3A_95 = tpu.memref_slice %arg9[%dma_start3A_94] : memref<256xi32, #tpu.memory_space<vmem>> -> memref<160xi32, #tpu.memory_space<vmem>>
      %dma_start3A_96 = tpu.memref_slice %arg4[%mul3A_6] : memref<5120xi32, #tpu.memory_space<hbm>> -> memref<160xi32, #tpu.memory_space<hbm>>
      tpu.enqueue_dma source(%dma_start3A_96 : memref<160xi32, #tpu.memory_space<hbm>>) target(%dma_start3A_95 : memref<160xi32, #tpu.memory_space<vmem>>) target_semaphore(%run_scoped3A : memref<!tpu.dma_semaphore, #tpu.memory_space<semaphore_mem>>)
      %dma_wait3A = arith.constant 0 : i32
      %dma_wait3A_97 = tpu.memref_slice %arg9[%dma_wait3A] : memref<256xi32, #tpu.memory_space<vmem>> -> memref<160xi32, #tpu.memory_space<vmem>>
      %dma_wait3A_98 = tpu.memref_slice %arg4[%mul3A_6] : memref<5120xi32, #tpu.memory_space<hbm>> -> memref<160xi32, #tpu.memory_space<hbm>>
      %dma_wait3A_99 = arith.constant 0 : i32
      %dma_wait3A_100 = tpu.memref_slice %arg9[%dma_wait3A_99] : memref<256xi32, #tpu.memory_space<vmem>> -> memref<160xi32, #tpu.memory_space<vmem>>
      %dma_wait3A_101 = tpu.memref_slice %arg4[%mul3A_6] : memref<5120xi32, #tpu.memory_space<hbm>> -> memref<160xi32, #tpu.memory_space<hbm>>
      tpu.wait_dma2 semaphore(%run_scoped3A : memref<!tpu.dma_semaphore, #tpu.memory_space<semaphore_mem>>) src(%dma_wait3A_101 : memref<160xi32, #tpu.memory_space<hbm>>) dst(%dma_wait3A_100 : memref<160xi32, #tpu.memory_space<vmem>>)
      tpu.yield
    }) : () -> ()
    %iota3A = tpu.iota {dimensions = array<i32: 0>} : vector<16xi32>
    %scan3A = arith.constant 0 : i32
    %scan3A_7 = arith.constant 0 : i32
    %scan3A_8 = arith.constant 32 : i32
    %scan3A_9 = arith.addi %scan3A_7, %scan3A_8 : i32
    %scan3A_10 = arith.constant 1 : i32
    %scan3A_11 = scf.for %scan3A_92 = %scan3A_7 to %scan3A_9 step %scan3A_10 iter_args(%scan3A_93 = %scan3A) -> (i32)  : i32 {
      %mul3A_94 = arith.constant 16 : i32
      %mul3A_95 = arith.muli %scan3A_92, %mul3A_94 : i32
      %get3A = arith.index_cast %mul3A_95 : i32 to index
      %get3A_96 = tpu.vector_load %arg7[%get3A] {strides = array<i32>} : memref<512xi32, #tpu.memory_space<vmem>>, vector<16xi32>,
      %gather3A_97 = tpu.vector_load_idx %arg8[%get3A_96] : memref<1024xi32, #tpu.memory_space<vmem>>[vector<16xi32>], vector<16xi32>,
      %swap3A = arith.index_cast %mul3A_95 : i32 to index
      %swap3A_98 = tpu.vector_load %arg10[%swap3A] {strides = array<i32>} : memref<512xi32, #tpu.memory_space<vmem>>, vector<16xi32>,
      tpu.vector_store %arg10[%swap3A], %gather3A_97 {strides = array<i32>} : memref<512xi32, #tpu.memory_space<vmem>>, vector<16xi32>,
      %scan3A_99 = arith.constant 0 : i32
      scf.yield %scan3A_99 : i32
    }
    %scan3A_12 = arith.constant 32 : i32
    %scan3A_13 = arith.constant 0 : i32
    %scan3A_14 = arith.constant 0 : i32
    %scan3A_15 = arith.constant 63 : i32
    %scan3A_16 = arith.addi %scan3A_14, %scan3A_15 : i32
    %scan3A_17 = arith.constant 1 : i32
    %scan3A_18 = scf.for %scan3A_92 = %scan3A_14 to %scan3A_16 step %scan3A_17 iter_args(%scan3A_93 = %scan3A_13) -> (i32)  : i32 {
      %mul3A_94 = arith.constant 16 : i32
      %mul3A_95 = arith.muli %scan3A_92, %mul3A_94 : i32
      %min3A = arith.constant 984 : i32
      %min3A_96 = arith.minsi %mul3A_95, %min3A : i32
      %broadcast_in_dim3A_97 = arith.constant 0.000000e+00 : f32
      %broadcast_in_dim3A_98 = vector.broadcast %broadcast_in_dim3A_97 : f32 to vector<16xf32>
      %swap3A = arith.constant 0 : i32
      %swap3A_99 = arith.index_cast %swap3A : i32 to index
      %swap3A_100 = arith.index_cast %min3A_96 : i32 to index
      %swap3A_101 = tpu.vector_load %arg11[%swap3A_99, %swap3A_100] {strides = array<i32>} : memref<16x1000xf32, #tpu.memory_space<vmem>>, vector<16xf32>,
      tpu.vector_store %arg11[%swap3A_99, %swap3A_100], %broadcast_in_dim3A_98 {strides = array<i32>} : memref<16x1000xf32, #tpu.memory_space<vmem>>, vector<16xf32>,
      %broadcast_in_dim3A_102 = arith.constant 0.000000e+00 : f32
      %broadcast_in_dim3A_103 = vector.broadcast %broadcast_in_dim3A_102 : f32 to vector<16xf32>
      %swap3A_104 = arith.constant 1 : i32
      %swap3A_105 = arith.index_cast %swap3A_104 : i32 to index
      %swap3A_106 = arith.index_cast %min3A_96 : i32 to index
      %swap3A_107 = tpu.vector_load %arg11[%swap3A_105, %swap3A_106] {strides = array<i32>} : memref<16x1000xf32, #tpu.memory_space<vmem>>, vector<16xf32>,
      tpu.vector_store %arg11[%swap3A_105, %swap3A_106], %broadcast_in_dim3A_103 {strides = array<i32>} : memref<16x1000xf32, #tpu.memory_space<vmem>>, vector<16xf32>,
      %broadcast_in_dim3A_108 = arith.constant 0.000000e+00 : f32
      %broadcast_in_dim3A_109 = vector.broadcast %broadcast_in_dim3A_108 : f32 to vector<16xf32>
      %swap3A_110 = arith.constant 2 : i32
      %swap3A_111 = arith.index_cast %swap3A_110 : i32 to index
      %swap3A_112 = arith.index_cast %min3A_96 : i32 to index
      %swap3A_113 = tpu.vector_load %arg11[%swap3A_111, %swap3A_112] {strides = array<i32>} : memref<16x1000xf32, #tpu.memory_space<vmem>>, vector<16xf32>,
      tpu.vector_store %arg11[%swap3A_111, %swap3A_112], %broadcast_in_dim3A_109 {strides = array<i32>} : memref<16x1000xf32, #tpu.memory_space<vmem>>, vector<16xf32>,
      %broadcast_in_dim3A_114 = arith.constant 0.000000e+00 : f32
      %broadcast_in_dim3A_115 = vector.broadcast %broadcast_in_dim3A_114 : f32 to vector<16xf32>
      %swap3A_116 = arith.constant 3 : i32
      %swap3A_117 = arith.index_cast %swap3A_116 : i32 to index
      %swap3A_118 = arith.index_cast %min3A_96 : i32 to index
      %swap3A_119 = tpu.vector_load %arg11[%swap3A_117, %swap3A_118] {strides = array<i32>} : memref<16x1000xf32, #tpu.memory_space<vmem>>, vector<16xf32>,
      tpu.vector_store %arg11[%swap3A_117, %swap3A_118], %broadcast_in_dim3A_115 {strides = array<i32>} : memref<16x1000xf32, #tpu.memory_space<vmem>>, vector<16xf32>,
      %broadcast_in_dim3A_120 = arith.constant 0.000000e+00 : f32
      %broadcast_in_dim3A_121 = vector.broadcast %broadcast_in_dim3A_120 : f32 to vector<16xf32>
      %swap3A_122 = arith.constant 4 : i32
      %swap3A_123 = arith.index_cast %swap3A_122 : i32 to index
      %swap3A_124 = arith.index_cast %min3A_96 : i32 to index
      %swap3A_125 = tpu.vector_load %arg11[%swap3A_123, %swap3A_124] {strides = array<i32>} : memref<16x1000xf32, #tpu.memory_space<vmem>>, vector<16xf32>,
      tpu.vector_store %arg11[%swap3A_123, %swap3A_124], %broadcast_in_dim3A_121 {strides = array<i32>} : memref<16x1000xf32, #tpu.memory_space<vmem>>, vector<16xf32>,
      %broadcast_in_dim3A_126 = arith.constant 0.000000e+00 : f32
      %broadcast_in_dim3A_127 = vector.broadcast %broadcast_in_dim3A_126 : f32 to vector<16xf32>
      %swap3A_128 = arith.constant 5 : i32
      %swap3A_129 = arith.index_cast %swap3A_128 : i32 to index
      %swap3A_130 = arith.index_cast %min3A_96 : i32 to index
      %swap3A_131 = tpu.vector_load %arg11[%swap3A_129, %swap3A_130] {strides = array<i32>} : memref<16x1000xf32, #tpu.memory_space<vmem>>, vector<16xf32>,
      tpu.vector_store %arg11[%swap3A_129, %swap3A_130], %broadcast_in_dim3A_127 {strides = array<i32>} : memref<16x1000xf32, #tpu.memory_space<vmem>>, vector<16xf32>,
      %broadcast_in_dim3A_132 = arith.constant 0.000000e+00 : f32
      %broadcast_in_dim3A_133 = vector.broadcast %broadcast_in_dim3A_132 : f32 to vector<16xf32>
      %swap3A_134 = arith.constant 6 : i32
      %swap3A_135 = arith.index_cast %swap3A_134 : i32 to index
      %swap3A_136 = arith.index_cast %min3A_96 : i32 to index
      %swap3A_137 = tpu.vector_load %arg11[%swap3A_135, %swap3A_136] {strides = array<i32>} : memref<16x1000xf32, #tpu.memory_space<vmem>>, vector<16xf32>,
      tpu.vector_store %arg11[%swap3A_135, %swap3A_136], %broadcast_in_dim3A_133 {strides = array<i32>} : memref<16x1000xf32, #tpu.memory_space<vmem>>, vector<16xf32>,
      %broadcast_in_dim3A_138 = arith.constant 0.000000e+00 : f32
      %broadcast_in_dim3A_139 = vector.broadcast %broadcast_in_dim3A_138 : f32 to vector<16xf32>
      %swap3A_140 = arith.constant 7 : i32
      %swap3A_141 = arith.index_cast %swap3A_140 : i32 to index
      %swap3A_142 = arith.index_cast %min3A_96 : i32 to index
      %swap3A_143 = tpu.vector_load %arg11[%swap3A_141, %swap3A_142] {strides = array<i32>} : memref<16x1000xf32, #tpu.memory_space<vmem>>, vector<16xf32>,
      tpu.vector_store %arg11[%swap3A_141, %swap3A_142], %broadcast_in_dim3A_139 {strides = array<i32>} : memref<16x1000xf32, #tpu.memory_space<vmem>>, vector<16xf32>,
      %broadcast_in_dim3A_144 = arith.constant 0.000000e+00 : f32
      %broadcast_in_dim3A_145 = vector.broadcast %broadcast_in_dim3A_144 : f32 to vector<16xf32>
      %swap3A_146 = arith.constant 8 : i32
      %swap3A_147 = arith.index_cast %swap3A_146 : i32 to index
      %swap3A_148 = arith.index_cast %min3A_96 : i32 to index
      %swap3A_149 = tpu.vector_load %arg11[%swap3A_147, %swap3A_148] {strides = array<i32>} : memref<16x1000xf32, #tpu.memory_space<vmem>>, vector<16xf32>,
      tpu.vector_store %arg11[%swap3A_147, %swap3A_148], %broadcast_in_dim3A_145 {strides = array<i32>} : memref<16x1000xf32, #tpu.memory_space<vmem>>, vector<16xf32>,
      %broadcast_in_dim3A_150 = arith.constant 0.000000e+00 : f32
      %broadcast_in_dim3A_151 = vector.broadcast %broadcast_in_dim3A_150 : f32 to vector<16xf32>
      %swap3A_152 = arith.constant 9 : i32
      %swap3A_153 = arith.index_cast %swap3A_152 : i32 to index
      %swap3A_154 = arith.index_cast %min3A_96 : i32 to index
      %swap3A_155 = tpu.vector_load %arg11[%swap3A_153, %swap3A_154] {strides = array<i32>} : memref<16x1000xf32, #tpu.memory_space<vmem>>, vector<16xf32>,
      tpu.vector_store %arg11[%swap3A_153, %swap3A_154], %broadcast_in_dim3A_151 {strides = array<i32>} : memref<16x1000xf32, #tpu.memory_space<vmem>>, vector<16xf32>,
      %broadcast_in_dim3A_156 = arith.constant 0.000000e+00 : f32
      %broadcast_in_dim3A_157 = vector.broadcast %broadcast_in_dim3A_156 : f32 to vector<16xf32>
      %swap3A_158 = arith.constant 10 : i32
      %swap3A_159 = arith.index_cast %swap3A_158 : i32 to index
      %swap3A_160 = arith.index_cast %min3A_96 : i32 to index
      %swap3A_161 = tpu.vector_load %arg11[%swap3A_159, %swap3A_160] {strides = array<i32>} : memref<16x1000xf32, #tpu.memory_space<vmem>>, vector<16xf32>,
      tpu.vector_store %arg11[%swap3A_159, %swap3A_160], %broadcast_in_dim3A_157 {strides = array<i32>} : memref<16x1000xf32, #tpu.memory_space<vmem>>, vector<16xf32>,
      %broadcast_in_dim3A_162 = arith.constant 0.000000e+00 : f32
      %broadcast_in_dim3A_163 = vector.broadcast %broadcast_in_dim3A_162 : f32 to vector<16xf32>
      %swap3A_164 = arith.constant 11 : i32
      %swap3A_165 = arith.index_cast %swap3A_164 : i32 to index
      %swap3A_166 = arith.index_cast %min3A_96 : i32 to index
      %swap3A_167 = tpu.vector_load %arg11[%swap3A_165, %swap3A_166] {strides = array<i32>} : memref<16x1000xf32, #tpu.memory_space<vmem>>, vector<16xf32>,
      tpu.vector_store %arg11[%swap3A_165, %swap3A_166], %broadcast_in_dim3A_163 {strides = array<i32>} : memref<16x1000xf32, #tpu.memory_space<vmem>>, vector<16xf32>,
      %broadcast_in_dim3A_168 = arith.constant 0.000000e+00 : f32
      %broadcast_in_dim3A_169 = vector.broadcast %broadcast_in_dim3A_168 : f32 to vector<16xf32>
      %swap3A_170 = arith.constant 12 : i32
      %swap3A_171 = arith.index_cast %swap3A_170 : i32 to index
      %swap3A_172 = arith.index_cast %min3A_96 : i32 to index
      %swap3A_173 = tpu.vector_load %arg11[%swap3A_171, %swap3A_172] {strides = array<i32>} : memref<16x1000xf32, #tpu.memory_space<vmem>>, vector<16xf32>,
      tpu.vector_store %arg11[%swap3A_171, %swap3A_172], %broadcast_in_dim3A_169 {strides = array<i32>} : memref<16x1000xf32, #tpu.memory_space<vmem>>, vector<16xf32>,
      %broadcast_in_dim3A_174 = arith.constant 0.000000e+00 : f32
      %broadcast_in_dim3A_175 = vector.broadcast %broadcast_in_dim3A_174 : f32 to vector<16xf32>
      %swap3A_176 = arith.constant 13 : i32
      %swap3A_177 = arith.index_cast %swap3A_176 : i32 to index
      %swap3A_178 = arith.index_cast %min3A_96 : i32 to index
      %swap3A_179 = tpu.vector_load %arg11[%swap3A_177, %swap3A_178] {strides = array<i32>} : memref<16x1000xf32, #tpu.memory_space<vmem>>, vector<16xf32>,
      tpu.vector_store %arg11[%swap3A_177, %swap3A_178], %broadcast_in_dim3A_175 {strides = array<i32>} : memref<16x1000xf32, #tpu.memory_space<vmem>>, vector<16xf32>,
      %broadcast_in_dim3A_180 = arith.constant 0.000000e+00 : f32
      %broadcast_in_dim3A_181 = vector.broadcast %broadcast_in_dim3A_180 : f32 to vector<16xf32>
      %swap3A_182 = arith.constant 14 : i32
      %swap3A_183 = arith.index_cast %swap3A_182 : i32 to index
      %swap3A_184 = arith.index_cast %min3A_96 : i32 to index
      %swap3A_185 = tpu.vector_load %arg11[%swap3A_183, %swap3A_184] {strides = array<i32>} : memref<16x1000xf32, #tpu.memory_space<vmem>>, vector<16xf32>,
      tpu.vector_store %arg11[%swap3A_183, %swap3A_184], %broadcast_in_dim3A_181 {strides = array<i32>} : memref<16x1000xf32, #tpu.memory_space<vmem>>, vector<16xf32>,
      %broadcast_in_dim3A_186 = arith.constant 0.000000e+00 : f32
      %broadcast_in_dim3A_187 = vector.broadcast %broadcast_in_dim3A_186 : f32 to vector<16xf32>
      %swap3A_188 = arith.constant 15 : i32
      %swap3A_189 = arith.index_cast %swap3A_188 : i32 to index
      %swap3A_190 = arith.index_cast %min3A_96 : i32 to index
      %swap3A_191 = tpu.vector_load %arg11[%swap3A_189, %swap3A_190] {strides = array<i32>} : memref<16x1000xf32, #tpu.memory_space<vmem>>, vector<16xf32>,
      tpu.vector_store %arg11[%swap3A_189, %swap3A_190], %broadcast_in_dim3A_187 {strides = array<i32>} : memref<16x1000xf32, #tpu.memory_space<vmem>>, vector<16xf32>,
      %scan3A_192 = arith.constant 0 : i32
      scf.yield %scan3A_192 : i32
    }
    %scan3A_19 = arith.constant 63 : i32
    %broadcast_in_dim3A = arith.constant 1.000000e+00 : f32
    %broadcast_in_dim3A_20 = vector.broadcast %broadcast_in_dim3A : f32 to vector<16xf32>
    %mul3A_21 = arith.constant 10 : i32
    %mul3A_22 = vector.broadcast %mul3A_21 : i32 to vector<16xi32>
    %mul3A_23 = arith.muli %iota3A, %mul3A_22 : vector<16xi32>
    %add3A_24 = arith.constant 0 : i32
    %add3A_25 = vector.broadcast %add3A_24 : i32 to vector<16xi32>
    %add3A_26 = arith.addi %mul3A_23, %add3A_25 : vector<16xi32>
    %gather3A = tpu.vector_load_idx %arg9[%add3A_26] : memref<256xi32, #tpu.memory_space<vmem>>[vector<16xi32>], vector<16xi32>,
    tpu.vector_store_idx %arg11[%iota3A, %gather3A], %broadcast_in_dim3A_20 {add = true} : memref<16x1000xf32, #tpu.memory_space<vmem>>[vector<16xi32>, vector<16xi32>], vector<16xf32>,
    %mul3A_27 = arith.constant 10 : i32
    %mul3A_28 = vector.broadcast %mul3A_27 : i32 to vector<16xi32>
    %mul3A_29 = arith.muli %iota3A, %mul3A_28 : vector<16xi32>
    %add3A_30 = arith.constant 1 : i32
    %add3A_31 = vector.broadcast %add3A_30 : i32 to vector<16xi32>
    %add3A_32 = arith.addi %mul3A_29, %add3A_31 : vector<16xi32>
    %gather3A_33 = tpu.vector_load_idx %arg9[%add3A_32] : memref<256xi32, #tpu.memory_space<vmem>>[vector<16xi32>], vector<16xi32>,
    tpu.vector_store_idx %arg11[%iota3A, %gather3A_33], %broadcast_in_dim3A_20 {add = true} : memref<16x1000xf32, #tpu.memory_space<vmem>>[vector<16xi32>, vector<16xi32>], vector<16xf32>,
    %mul3A_34 = arith.constant 10 : i32
    %mul3A_35 = vector.broadcast %mul3A_34 : i32 to vector<16xi32>
    %mul3A_36 = arith.muli %iota3A, %mul3A_35 : vector<16xi32>
    %add3A_37 = arith.constant 2 : i32
    %add3A_38 = vector.broadcast %add3A_37 : i32 to vector<16xi32>
    %add3A_39 = arith.addi %mul3A_36, %add3A_38 : vector<16xi32>
    %gather3A_40 = tpu.vector_load_idx %arg9[%add3A_39] : memref<256xi32, #tpu.memory_space<vmem>>[vector<16xi32>], vector<16xi32>,
    tpu.vector_store_idx %arg11[%iota3A, %gather3A_40], %broadcast_in_dim3A_20 {add = true} : memref<16x1000xf32, #tpu.memory_space<vmem>>[vector<16xi32>, vector<16xi32>], vector<16xf32>,
    %mul3A_41 = arith.constant 10 : i32
    %mul3A_42 = vector.broadcast %mul3A_41 : i32 to vector<16xi32>
    %mul3A_43 = arith.muli %iota3A, %mul3A_42 : vector<16xi32>
    %add3A_44 = arith.constant 3 : i32
    %add3A_45 = vector.broadcast %add3A_44 : i32 to vector<16xi32>
    %add3A_46 = arith.addi %mul3A_43, %add3A_45 : vector<16xi32>
    %gather3A_47 = tpu.vector_load_idx %arg9[%add3A_46] : memref<256xi32, #tpu.memory_space<vmem>>[vector<16xi32>], vector<16xi32>,
    tpu.vector_store_idx %arg11[%iota3A, %gather3A_47], %broadcast_in_dim3A_20 {add = true} : memref<16x1000xf32, #tpu.memory_space<vmem>>[vector<16xi32>, vector<16xi32>], vector<16xf32>,
    %mul3A_48 = arith.constant 10 : i32
    %mul3A_49 = vector.broadcast %mul3A_48 : i32 to vector<16xi32>
    %mul3A_50 = arith.muli %iota3A, %mul3A_49 : vector<16xi32>
    %add3A_51 = arith.constant 4 : i32
    %add3A_52 = vector.broadcast %add3A_51 : i32 to vector<16xi32>
    %add3A_53 = arith.addi %mul3A_50, %add3A_52 : vector<16xi32>
    %gather3A_54 = tpu.vector_load_idx %arg9[%add3A_53] : memref<256xi32, #tpu.memory_space<vmem>>[vector<16xi32>], vector<16xi32>,
    tpu.vector_store_idx %arg11[%iota3A, %gather3A_54], %broadcast_in_dim3A_20 {add = true} : memref<16x1000xf32, #tpu.memory_space<vmem>>[vector<16xi32>, vector<16xi32>], vector<16xf32>,
    %mul3A_55 = arith.constant 10 : i32
    %mul3A_56 = vector.broadcast %mul3A_55 : i32 to vector<16xi32>
    %mul3A_57 = arith.muli %iota3A, %mul3A_56 : vector<16xi32>
    %add3A_58 = arith.constant 5 : i32
    %add3A_59 = vector.broadcast %add3A_58 : i32 to vector<16xi32>
    %add3A_60 = arith.addi %mul3A_57, %add3A_59 : vector<16xi32>
    %gather3A_61 = tpu.vector_load_idx %arg9[%add3A_60] : memref<256xi32, #tpu.memory_space<vmem>>[vector<16xi32>], vector<16xi32>,
    tpu.vector_store_idx %arg11[%iota3A, %gather3A_61], %broadcast_in_dim3A_20 {add = true} : memref<16x1000xf32, #tpu.memory_space<vmem>>[vector<16xi32>, vector<16xi32>], vector<16xf32>,
    %mul3A_62 = arith.constant 10 : i32
    %mul3A_63 = vector.broadcast %mul3A_62 : i32 to vector<16xi32>
    %mul3A_64 = arith.muli %iota3A, %mul3A_63 : vector<16xi32>
    %add3A_65 = arith.constant 6 : i32
    %add3A_66 = vector.broadcast %add3A_65 : i32 to vector<16xi32>
    %add3A_67 = arith.addi %mul3A_64, %add3A_66 : vector<16xi32>
    %gather3A_68 = tpu.vector_load_idx %arg9[%add3A_67] : memref<256xi32, #tpu.memory_space<vmem>>[vector<16xi32>], vector<16xi32>,
    tpu.vector_store_idx %arg11[%iota3A, %gather3A_68], %broadcast_in_dim3A_20 {add = true} : memref<16x1000xf32, #tpu.memory_space<vmem>>[vector<16xi32>, vector<16xi32>], vector<16xf32>,
    %mul3A_69 = arith.constant 10 : i32
    %mul3A_70 = vector.broadcast %mul3A_69 : i32 to vector<16xi32>
    %mul3A_71 = arith.muli %iota3A, %mul3A_70 : vector<16xi32>
    %add3A_72 = arith.constant 7 : i32
    %add3A_73 = vector.broadcast %add3A_72 : i32 to vector<16xi32>
    %add3A_74 = arith.addi %mul3A_71, %add3A_73 : vector<16xi32>
    %gather3A_75 = tpu.vector_load_idx %arg9[%add3A_74] : memref<256xi32, #tpu.memory_space<vmem>>[vector<16xi32>], vector<16xi32>,
    tpu.vector_store_idx %arg11[%iota3A, %gather3A_75], %broadcast_in_dim3A_20 {add = true} : memref<16x1000xf32, #tpu.memory_space<vmem>>[vector<16xi32>, vector<16xi32>], vector<16xf32>,
    %mul3A_76 = arith.constant 10 : i32
    %mul3A_77 = vector.broadcast %mul3A_76 : i32 to vector<16xi32>
    %mul3A_78 = arith.muli %iota3A, %mul3A_77 : vector<16xi32>
    %add3A_79 = arith.constant 8 : i32
    %add3A_80 = vector.broadcast %add3A_79 : i32 to vector<16xi32>
    %add3A_81 = arith.addi %mul3A_78, %add3A_80 : vector<16xi32>
    %gather3A_82 = tpu.vector_load_idx %arg9[%add3A_81] : memref<256xi32, #tpu.memory_space<vmem>>[vector<16xi32>], vector<16xi32>,
    tpu.vector_store_idx %arg11[%iota3A, %gather3A_82], %broadcast_in_dim3A_20 {add = true} : memref<16x1000xf32, #tpu.memory_space<vmem>>[vector<16xi32>, vector<16xi32>], vector<16xf32>,
    %mul3A_83 = arith.constant 10 : i32
    %mul3A_84 = vector.broadcast %mul3A_83 : i32 to vector<16xi32>
    %mul3A_85 = arith.muli %iota3A, %mul3A_84 : vector<16xi32>
    %add3A_86 = arith.constant 9 : i32
    %add3A_87 = vector.broadcast %add3A_86 : i32 to vector<16xi32>
    %add3A_88 = arith.addi %mul3A_85, %add3A_87 : vector<16xi32>
    %gather3A_89 = tpu.vector_load_idx %arg9[%add3A_88] : memref<256xi32, #tpu.memory_space<vmem>>[vector<16xi32>], vector<16xi32>,
    tpu.vector_store_idx %arg11[%iota3A, %gather3A_89], %broadcast_in_dim3A_20 {add = true} : memref<16x1000xf32, #tpu.memory_space<vmem>>[vector<16xi32>, vector<16xi32>], vector<16xf32>,
    %mul3A_90 = arith.constant 16 : i32
    %mul3A_91 = arith.muli %add3A, %mul3A_90 : i32
    "tpu.region"() ({
      %run_scoped3A = tpu.sem_alloc : memref<!tpu.dma_semaphore, #tpu.memory_space<semaphore_mem>>
      %dma_start3A = arith.constant 0 : i32
      %dma_start3A_92 = tpu.memref_slice %arg5[%mul3A_91, %dma_start3A] : memref<512x1000xf32, #tpu.memory_space<hbm>> -> memref<16x1000xf32, #tpu.memory_space<hbm>>
      %dma_start3A_93 = arith.constant 0 : i32
      %dma_start3A_94 = tpu.memref_slice %arg5[%mul3A_91, %dma_start3A_93] : memref<512x1000xf32, #tpu.memory_space<hbm>> -> memref<16x1000xf32, #tpu.memory_space<hbm>>
      tpu.enqueue_dma source(%arg11 : memref<16x1000xf32, #tpu.memory_space<vmem>>) target(%dma_start3A_94 : memref<16x1000xf32, #tpu.memory_space<hbm>>) target_semaphore(%run_scoped3A : memref<!tpu.dma_semaphore, #tpu.memory_space<semaphore_mem>>)
      %dma_wait3A = arith.constant 0 : i32
      %dma_wait3A_95 = tpu.memref_slice %arg5[%mul3A_91, %dma_wait3A] : memref<512x1000xf32, #tpu.memory_space<hbm>> -> memref<16x1000xf32, #tpu.memory_space<hbm>>
      %dma_wait3A_96 = arith.constant 0 : i32
      %dma_wait3A_97 = tpu.memref_slice %arg5[%mul3A_91, %dma_wait3A_96] : memref<512x1000xf32, #tpu.memory_space<hbm>> -> memref<16x1000xf32, #tpu.memory_space<hbm>>
      tpu.wait_dma2 semaphore(%run_scoped3A : memref<!tpu.dma_semaphore, #tpu.memory_space<semaphore_mem>>) src(%arg11 : memref<16x1000xf32, #tpu.memory_space<vmem>>) dst(%dma_wait3A_97 : memref<16x1000xf32, #tpu.memory_space<hbm>>)
      tpu.yield
    }) : () -> ()
    "tpu.region"() ({
      %run_scoped3A = tpu.sem_alloc : memref<!tpu.dma_semaphore, #tpu.memory_space<semaphore_mem>>
      %dma_start3A = arith.constant 0 : i32
      %dma_start3A_92 = tpu.memref_slice %arg6[%add3A, %dma_start3A] : memref<32x512xi32, #tpu.memory_space<hbm>> -> memref<1x512xi32, #tpu.memory_space<hbm>>
      %dma_start3A_93 = tpu.memref_squeeze %dma_start3A_92 : memref<1x512xi32, #tpu.memory_space<hbm>> -> memref<512xi32, #tpu.memory_space<hbm>>
      %dma_start3A_94 = arith.constant 0 : i32
      %dma_start3A_95 = tpu.memref_slice %arg6[%add3A, %dma_start3A_94] : memref<32x512xi32, #tpu.memory_space<hbm>> -> memref<1x512xi32, #tpu.memory_space<hbm>>
      %dma_start3A_96 = tpu.memref_squeeze %dma_start3A_95 : memref<1x512xi32, #tpu.memory_space<hbm>> -> memref<512xi32, #tpu.memory_space<hbm>>
      tpu.enqueue_dma source(%arg10 : memref<512xi32, #tpu.memory_space<vmem>>) target(%dma_start3A_96 : memref<512xi32, #tpu.memory_space<hbm>>) target_semaphore(%run_scoped3A : memref<!tpu.dma_semaphore, #tpu.memory_space<semaphore_mem>>)
      %dma_wait3A = arith.constant 0 : i32
      %dma_wait3A_97 = tpu.memref_slice %arg6[%add3A, %dma_wait3A] : memref<32x512xi32, #tpu.memory_space<hbm>> -> memref<1x512xi32, #tpu.memory_space<hbm>>
      %dma_wait3A_98 = tpu.memref_squeeze %dma_wait3A_97 : memref<1x512xi32, #tpu.memory_space<hbm>> -> memref<512xi32, #tpu.memory_space<hbm>>
      %dma_wait3A_99 = arith.constant 0 : i32
      %dma_wait3A_100 = tpu.memref_slice %arg6[%add3A, %dma_wait3A_99] : memref<32x512xi32, #tpu.memory_space<hbm>> -> memref<1x512xi32, #tpu.memory_space<hbm>>
      %dma_wait3A_101 = tpu.memref_squeeze %dma_wait3A_100 : memref<1x512xi32, #tpu.memory_space<hbm>> -> memref<512xi32, #tpu.memory_space<hbm>>
      tpu.wait_dma2 semaphore(%run_scoped3A : memref<!tpu.dma_semaphore, #tpu.memory_space<semaphore_mem>>) src(%arg10 : memref<512xi32, #tpu.memory_space<vmem>>) dst(%dma_wait3A_101 : memref<512xi32, #tpu.memory_space<hbm>>)
      tpu.yield
    }) : () -> ()
    return
  }
}

module attributes {stable_mosaic.version = 14 : i64} {
  func.func @_tc_body(%arg0: i32, %arg1: memref<1024x1000xf32, #tpu.memory_space<vmem>>, %arg2: memref<1x1x1024xi32, #tpu.memory_space<vmem>>, %arg3: memref<1x1x1024xi32, #tpu.memory_space<vmem>>, %arg4: memref<512x1000xf32, #tpu.memory_space<hbm>>, %arg5: memref<1x1xf32, #tpu.memory_space<smem>>, %arg6: memref<512x1000xf32, #tpu.memory_space<vmem>>, %arg7: memref<!tpu.dma_semaphore, #tpu.memory_space<semaphore_mem>>) attributes {dimension_semantics = [#tpu.dimension_semantics<arbitrary>], iteration_bounds = array<i64: 16>, scalar_prefetch = 0 : i64, scratch_operands = 2 : i64, tpu.core_type = #tpu.core_type<tc>, window_params = [{transform_indices = @transform_0, window_bounds = array<i64: 1024, 1000>}, {transform_indices = @transform_1, window_bounds = array<i64: 1, 1, 1024>}, {transform_indices = @transform_2, window_bounds = array<i64: 1, 1, 1024>}, {}, {transform_indices = @transform_4, window_bounds = array<i64: 1, 1>}]} {
    %eq3A = arith.constant 0 : i32
    %eq3A_0 = arith.cmpi eq, %arg0, %eq3A : i32
    %convert_element_type3A = arith.extui %eq3A_0 : i1 to i32
    %cond3A = arith.constant 0 : i32
    %cond3A_1 = arith.cmpi ne, %convert_element_type3A, %cond3A : i32
    scf.if %cond3A_1 {
      tpu.enqueue_dma source(%arg4 : memref<512x1000xf32, #tpu.memory_space<hbm>>) target(%arg6 : memref<512x1000xf32, #tpu.memory_space<vmem>>) target_semaphore(%arg7 : memref<!tpu.dma_semaphore, #tpu.memory_space<semaphore_mem>>)
      tpu.wait_dma2 semaphore(%arg7 : memref<!tpu.dma_semaphore, #tpu.memory_space<semaphore_mem>>) src(%arg4 : memref<512x1000xf32, #tpu.memory_space<hbm>>) dst(%arg6 : memref<512x1000xf32, #tpu.memory_space<vmem>>)
    } else {
    }
    %get3A = arith.constant 0 : index
    %get3A_2 = arith.constant 0 : index
    %get3A_3 = vector.load %arg1[%get3A, %get3A_2] : memref<1024x1000xf32, #tpu.memory_space<vmem>>, vector<1024x1000xf32>
    %get3A_4 = arith.constant 0 : index
    %get3A_5 = arith.constant 0 : index
    %get3A_6 = arith.constant 0 : index
    %get3A_7 = vector.load %arg2[%get3A_4, %get3A_5, %get3A_6] : memref<1x1x1024xi32, #tpu.memory_space<vmem>>, vector<1x1x1024xi32>
    %get3A_8 = vector.shape_cast %get3A_7 : vector<1x1x1024xi32> to vector<1024xi32>
    %get3A_9 = arith.constant 0 : index
    %get3A_10 = arith.constant 0 : index
    %get3A_11 = arith.constant 0 : index
    %get3A_12 = vector.load %arg3[%get3A_9, %get3A_10, %get3A_11] : memref<1x1x1024xi32, #tpu.memory_space<vmem>>, vector<1x1x1024xi32>
    %get3A_13 = vector.shape_cast %get3A_12 : vector<1x1x1024xi32> to vector<1024xi32>
    %max3A = arith.constant 0 : i32
    %max3A_14 = vector.broadcast %max3A : i32 to vector<1024xi32>
    %max3A_15 = arith.maxsi %get3A_13, %max3A_14 : vector<1024xi32>
    %ge3A = arith.constant 0 : i32
    %ge3A_16 = vector.broadcast %ge3A : i32 to vector<1024xi32>
    %ge3A_17 = arith.cmpi sge, %get3A_13, %ge3A_16 : vector<1024xi32>
    %jit3A = arith.constant 1.000000e+00 : f32
    %jit3A_18 = arith.constant 0.000000e+00 : f32
    %broadcast_in_dim3A = vector.broadcast %jit3A : f32 to vector<1024xf32>
    %broadcast_in_dim3A_19 = vector.broadcast %jit3A_18 : f32 to vector<1024xf32>
    %select_n3A = arith.select %ge3A_17, %broadcast_in_dim3A, %broadcast_in_dim3A_19 : vector<1024xi1>, vector<1024xf32>
    %get3A_20 = arith.constant 0 : index
    %get3A_21 = arith.constant 0 : index
    %get3A_22 = vector.load %arg6[%get3A_20, %get3A_21] : memref<512x1000xf32, #tpu.memory_space<vmem>>, vector<512x1000xf32>
    %convert_element_type3A_23 = arith.truncf %get3A_22 : vector<512x1000xf32> to vector<512x1000xbf16>
    %reduce_max3A = arith.constant dense<0xFF800000> : vector<1024xf32>
    %reduce_max3A_24 = vector.multi_reduction <maximumf>, %get3A_3, %reduce_max3A [1] : vector<1024x1000xf32> to vector<1024xf32>
    %broadcast_in_dim3A_25 = vector.shape_cast %reduce_max3A_24 : vector<1024xf32> to vector<1024x1xf32>
    %sub3A = vector.broadcast %broadcast_in_dim3A_25 : vector<1024x1xf32> to vector<1024x1000xf32>
    %sub3A_26 = arith.subf %get3A_3, %sub3A : vector<1024x1000xf32>
    %exp3A = math.exp %sub3A_26 : vector<1024x1000xf32>
    %iota3A = tpu.iota {dimensions = array<i32: 1>} : vector<1024x512xi32>
    %broadcast_in_dim3A_27 = vector.shape_cast %max3A_15 : vector<1024xi32> to vector<1024x1xi32>
    %eq3A_28 = vector.broadcast %broadcast_in_dim3A_27 : vector<1024x1xi32> to vector<1024x512xi32>
    %eq3A_29 = arith.cmpi eq, %iota3A, %eq3A_28 : vector<1024x512xi32>
    %broadcast_in_dim3A_30 = vector.shape_cast %select_n3A : vector<1024xf32> to vector<1024x1xf32>
    %jit3A_31 = arith.constant 0.000000e+00 : f32
    %broadcast_in_dim3A_32 = vector.shape_cast %broadcast_in_dim3A_30 : vector<1024x1xf32> to vector<1024x1xf32>
    %broadcast_in_dim3A_33 = vector.broadcast %broadcast_in_dim3A_32 : vector<1024x1xf32> to vector<1024x512xf32>
    %broadcast_in_dim3A_34 = vector.broadcast %jit3A_31 : f32 to vector<1024x512xf32>
    %select_n3A_35 = arith.select %eq3A_29, %broadcast_in_dim3A_33, %broadcast_in_dim3A_34 : vector<1024x512xi1>, vector<1024x512xf32>
    %convert_element_type3A_36 = arith.truncf %select_n3A_35 : vector<1024x512xf32> to vector<1024x512xbf16>
    %dot_general3A = arith.constant dense<0.000000e+00> : vector<1024x1000xf32>
    %dot_general3A_37 = tpu.matmul %convert_element_type3A_36, %convert_element_type3A_23, %dot_general3A {dimension_numbers = #tpu.dot_dimension_numbers<[1], [0], [0], [1], [0, 0, 1, 1], [], []>, transpose_lhs_hint = false} : vector<1024x512xbf16>, vector<512x1000xbf16>, vector<1024x1000xf32> -> vector<1024x1000xf32>
    %iota3A_38 = tpu.iota {dimensions = array<i32: 1>} : vector<1024x1000xi32>
    %broadcast_in_dim3A_39 = vector.shape_cast %get3A_8 : vector<1024xi32> to vector<1024x1xi32>
    %eq3A_40 = vector.broadcast %broadcast_in_dim3A_39 : vector<1024x1xi32> to vector<1024x1000xi32>
    %eq3A_41 = arith.cmpi eq, %iota3A_38, %eq3A_40 : vector<1024x1000xi32>
    %jit3A_42 = arith.constant 1.000000e+00 : f32
    %jit3A_43 = arith.constant 0.000000e+00 : f32
    %broadcast_in_dim3A_44 = vector.broadcast %jit3A_42 : f32 to vector<1024x1000xf32>
    %broadcast_in_dim3A_45 = vector.broadcast %jit3A_43 : f32 to vector<1024x1000xf32>
    %select_n3A_46 = arith.select %eq3A_41, %broadcast_in_dim3A_44, %broadcast_in_dim3A_45 : vector<1024x1000xi1>, vector<1024x1000xf32>
    %add3A = arith.addf %dot_general3A_37, %select_n3A_46 : vector<1024x1000xf32>
    %mul3A = arith.mulf %exp3A, %add3A : vector<1024x1000xf32>
    %broadcast_in_dim3A_47 = arith.constant 1.000000e+00 : f32
    %broadcast_in_dim3A_48 = vector.broadcast %broadcast_in_dim3A_47 : f32 to vector<1000x8xf32>
    %dot_general3A_49 = arith.constant dense<0.000000e+00> : vector<1024x8xf32>
    %dot_general3A_50 = tpu.matmul %exp3A, %broadcast_in_dim3A_48, %dot_general3A_49 {dimension_numbers = #tpu.dot_dimension_numbers<[1], [0], [0], [1], [0, 0, 1, 1], [], []>, transpose_lhs_hint = false} : vector<1024x1000xf32>, vector<1000x8xf32>, vector<1024x8xf32> -> vector<1024x8xf32>
    %dot_general3A_51 = arith.constant dense<0.000000e+00> : vector<1024x8xf32>
    %dot_general3A_52 = tpu.matmul %mul3A, %broadcast_in_dim3A_48, %dot_general3A_51 {dimension_numbers = #tpu.dot_dimension_numbers<[1], [0], [0], [1], [0, 0, 1, 1], [], []>, transpose_lhs_hint = false} : vector<1024x1000xf32>, vector<1000x8xf32>, vector<1024x8xf32> -> vector<1024x8xf32>
    %slice3A = vector.extract_strided_slice %dot_general3A_50 {offsets = [0, 0], sizes = [1024, 1], strides = [1, 1]} : vector<1024x8xf32> to vector<1024x1xf32>
    %squeeze3A = vector.shape_cast %slice3A : vector<1024x1xf32> to vector<1024xf32>
    %log3A = math.log %squeeze3A : vector<1024xf32>
    %slice3A_53 = vector.extract_strided_slice %dot_general3A_52 {offsets = [0, 0], sizes = [1024, 1], strides = [1, 1]} : vector<1024x8xf32> to vector<1024x1xf32>
    %squeeze3A_54 = vector.shape_cast %slice3A_53 : vector<1024x1xf32> to vector<1024xf32>
    %log3A_55 = math.log %squeeze3A_54 : vector<1024xf32>
    %sub3A_56 = arith.subf %log3A, %log3A_55 : vector<1024xf32>
    %reduce_sum3A = vector.shape_cast %sub3A_56 : vector<1024xf32> to vector<1x1024xf32>
    %reduce_sum3A_57 = arith.constant dense<0.000000e+00> : vector<1xf32>
    %reduce_sum3A_58 = vector.multi_reduction <add>, %reduce_sum3A, %reduce_sum3A_57 [1] : vector<1x1024xf32> to vector<1xf32>
    %reduce_sum3A_59 = vector.shape_cast %reduce_sum3A_58 : vector<1xf32> to vector<1x1xf32>
    %reduce_sum3A_60 = vector.extract %reduce_sum3A_59[0, 0] : f32 from vector<1x1xf32>
    %mul3A_61 = arith.constant 6.10351563E-5 : f32
    %mul3A_62 = arith.mulf %reduce_sum3A_60, %mul3A_61 : f32
    %eq3A_63 = arith.constant 0 : i32
    %eq3A_64 = arith.cmpi eq, %arg0, %eq3A_63 : i32
    %convert_element_type3A_65 = arith.extui %eq3A_64 : i1 to i32
    %cond3A_66 = arith.constant 0 : i32
    %cond3A_67 = arith.cmpi ne, %convert_element_type3A_65, %cond3A_66 : i32
    scf.if %cond3A_67 {
      %swap3A_74 = arith.constant 0.000000e+00 : f32
      %swap3A_75 = arith.constant 0 : index
      %swap3A_76 = arith.constant 0 : index
      %swap3A_77 = memref.load %arg5[%swap3A_75, %swap3A_76] : memref<1x1xf32, #tpu.memory_space<smem>>
      memref.store %swap3A_74, %arg5[%swap3A_75, %swap3A_76] : memref<1x1xf32, #tpu.memory_space<smem>>
    } else {
    }
    %get3A_68 = arith.constant 0 : index
    %get3A_69 = arith.constant 0 : index
    %get3A_70 = memref.load %arg5[%get3A_68, %get3A_69] : memref<1x1xf32, #tpu.memory_space<smem>>
    %add3A_71 = arith.addf %get3A_70, %mul3A_62 : f32
    %swap3A = arith.constant 0 : index
    %swap3A_72 = arith.constant 0 : index
    %swap3A_73 = memref.load %arg5[%swap3A, %swap3A_72] : memref<1x1xf32, #tpu.memory_space<smem>>
    memref.store %add3A_71, %arg5[%swap3A, %swap3A_72] : memref<1x1xf32, #tpu.memory_space<smem>>
    return
  }
  func.func @transform_0(%arg0: i32) -> (i32, i32) {
    %c0_i32 = arith.constant 0 : i32
    %c0_i32_0 = arith.constant 0 : i32
    return %arg0, %c0_i32 : i32, i32
  }
  func.func @transform_1(%arg0: i32) -> (i32, i32, i32) {
    %c0_i32 = arith.constant 0 : i32
    %c0_i32_0 = arith.constant 0 : i32
    %c0_i32_1 = arith.constant 0 : i32
    return %arg0, %c0_i32, %c0_i32_0 : i32, i32, i32
  }
  func.func @transform_2(%arg0: i32) -> (i32, i32, i32) {
    %c0_i32 = arith.constant 0 : i32
    %c0_i32_0 = arith.constant 0 : i32
    %c0_i32_1 = arith.constant 0 : i32
    return %arg0, %c0_i32, %c0_i32_0 : i32, i32, i32
  }
  func.func @transform_4(%arg0: i32) -> (i32, i32) {
    %c0_i32 = arith.constant 0 : i32
    %c0_i32_0 = arith.constant 0 : i32
    %c0_i32_1 = arith.constant 0 : i32
    return %c0_i32, %c0_i32_0 : i32, i32
  }
}

</mosaic_0001>

<sc_bundles>
// kernel: kernel.4.cloned.1.call-start
scs
__scs_entry_jumppad:
0x0: {  	(pc) =	sbr.rel $0x88, $3  }
0x1: {  	(tag) =	ssettag $0x0;
	lr =	simm.s32 $0x1  }
0x2: {  	[smem:$0x3F9D] =	sst lr;
	_ =	strace $0xD0000000  }
0x3: {  	_ = 	snop  }
0x4: {  	_ = 	snop  }
0x5: {  	_ = 	snop  }
0x6: {  	_ = 	snop  }
0x7: {  	_ = 	snop  }
__scs_overlays_trampoline_lowered:
0x8: {  	[smem:$0x3FAC] =	sst s0  }
0x9: {  	[smem:$0x3FAD] =	sst s1  }
0xa: {  	[smem:$0x3FAE] =	sst s2  }
0xb: {  	[smem:$0x3FAF] =	sst s3  }
0xc: {  	[smem:$0x3FB0] =	sst s4  }
0xd: {  	[smem:$0x3FB1] =	sst s5  }
0xe: {  	[smem:$0x3FB2] =	sst s6  }
0xf: {  	[smem:$0x3FB3] =	sst s7  }
0x10: {  	[smem:$0x3FB4] =	sst s8  }
0x11: {  	[smem:$0x3FB5] =	sst s9;
	s0 =	simm.s32 @!p0 $0x0  }
0x12: {  	s1 =	sld [smem:$0x3F9B];
	s0 =	simm.s32 @p0 $0x1  }
0x13: {  	[smem:$0x3FB6] =	sst s0;
	s0 =	simm.s32 @!p1 $0x0  }
0x14: {  	s2 =	sld [smem:$0x3F9A];
	s0 =	simm.s32 @p1 $0x1  }
0x15: {  	[smem:$0x3FB7] =	sst s0;
	s0 =	simm.s32 @!p2 $0x0  }
0x16: {  	s3 =	sld [smem:$0x3FDB];
	s0 =	simm.s32 @p2 $0x1  }
0x17: {  	s4 =	simm.s32 $0x1BF5;
	[smem:$0x3FB9] =	sst s0  }
0x18: {  	s0 =	sld [smem:$0x3F9C];
	_ =	swait.ge [sflag:s4], $0x0  }
0x19: {  	s7 =	sld [smem:$0x3F9D]  }
0x1a: {  	s8 =	sadd.s32 $0xFFFFE003, lr  }
0x1b: {  	s9 =	sadd.s32 $0xFFFFFEF7, lr;
	s5 =	simm.s32 $0xFFFFFFFF;
	p2 =	slt.u32 s8, $0xFFFFF086  }
0x1c: {  	p1 =	slt.u32 s9, $0xF7A;
	s5 =	simm.s32 @!p2 $0x0  }
0x1d: {  	s5 =	simm.s32 @p1 $0x1;
	p0 =	seq.s32 s7, s2  }
0x1e: {  	s7 =	smul.u32 @!p0 $0xF7A, s2;
	p2 =	seq.s32 @!p0 s5, $0x0  }
0x1f: {  	s9 =	smul.u32 $0xF7A, s1;
	s8 =	simm.s32 @!p0 $0x1BF5;
	p2 =	por !p2, p0  }
0x20: {  	[sflag:s8] =	ssyncset.s32 @!p0 $0xFFFFF086;
	s6 =	sadd.s32 @!p0 s3, s7;
	s7 =	simm.s32 @!p0 $0x108  }
0x21: {  	s3 =	sadd.s32 s3, s9;
	s6 =	sadd.s32 @!p0 $0x88, s6;
	s7 =	simm.s32 @p2 $0x1082  }
0x22: {  	[simem:s7], [sflag:s8] =	dma.local @!p0 [hbm:s6], $0xF7A  }
0x23: {  	s9 =	sor.u32 $0xD0000000, s2;
	s6 =	simm.s32 $0x108;
	_ =	swait.ge @!p0 [sflag:s8], $0x0  }
0x24: {  	s3 =	sadd.s32 $0x88, s3;
	s6 =	simm.s32 @!p1 $0x1082;
	[sflag:s4] =	ssyncset.s32 $0xFFFFF086  }
0x25: {  	[simem:s6], [sflag:s4] =	dma.local [hbm:s3], $0xF7A  }
0x26: {  	[smem:$0x3F9D] =	sst s1;
	(tag) =	ssettag s2;
	_ =	strace s9  }
0x27: {  	s1 =	sld [smem:$0x3FAD]  }
0x28: {  	s2 =	sld [smem:$0x3FAE]  }
0x29: {  	s4 =	sld [smem:$0x3FB0]  }
0x2a: {  	p0 =	seq.s32 s5, $0x0;
	s5 =	sld [smem:$0x3FB1]  }
0x2b: {  	s6 =	sld [smem:$0x3FB2]  }
0x2c: {  	s7 =	sld [smem:$0x3FB3]  }
0x2d: {  	s3 =	simm.s32 $0x108;
	s8 =	sld [smem:$0x3FB4]  }
0x2e: {  	s3 =	simm.s32 @!p0 $0x1082;
	s9 =	sld [smem:$0x3FB5]  }
0x2f: {  	lr =	sadd.s32 s0, s3;
	s0 =	sld [smem:$0x3FAC]  }
0x30: {  	s3 =	sld [smem:$0x3FAF]  }
0x31: {  	[smem:$0x3FB8] =	sst s10  }
0x32: {  	s10 =	sld [smem:$0x3FB6];
	_ =	sdelay $0x3  }
0x33: {  	p0 =	seq.s32 s10, $0x1;
	s10 =	sld [smem:$0x3FB8];
	_ =	sdelay $0x3  }
0x34: {  	[smem:$0x3FB8] =	sst s10  }
0x35: {  	s10 =	sld [smem:$0x3FB7];
	_ =	sdelay $0x3  }
0x36: {  	p1 =	seq.s32 s10, $0x1;
	s10 =	sld [smem:$0x3FB8];
	_ =	sdelay $0x3  }
0x37: {  	[smem:$0x3FB8] =	sst s10  }
0x38: {  	s10 =	sld [smem:$0x3FB9]  }
0x39: {  	_ = 	snop;
	(pc) =	sbr.ind lr, $3  }
0x3a: {  	_ = 	snop  }
0x3b: {  	_ = 	snop  }
0x3c: {  	p2 =	seq.s32 s10, $0x1;
	s10 =	sld [smem:$0x3FB8]  }
0x3d: {  	_ =	shalt  }
0x3e: {  	_ =	shalt  }
0x3f: {  	_ =	shalt  }
0x40: {  	_ =	shalt  }
0x41: {  	_ =	shalt  }
0x42: {  	_ =	shalt  }
0x43: {  	_ =	shalt  }
0x44: {  	_ =	shalt  }
0x45: {  	_ =	shalt  }
0x46: {  	_ =	shalt  }
0x47: {  	_ =	shalt  }
0x48: {  	_ =	shalt  }
0x49: {  	_ =	shalt  }
0x4a: {  	_ =	shalt  }
0x4b: {  	_ =	shalt  }
0x4c: {  	_ =	shalt  }
0x4d: {  	_ =	shalt  }
0x4e: {  	_ =	shalt  }
0x4f: {  	_ =	shalt  }
0x50: {  	_ =	shalt  }
0x51: {  	_ =	shalt  }
0x52: {  	_ =	shalt  }
0x53: {  	_ =	shalt  }
0x54: {  	_ =	shalt  }
0x55: {  	_ =	shalt  }
0x56: {  	_ =	shalt  }
0x57: {  	_ =	shalt  }
0x58: {  	_ =	shalt  }
0x59: {  	_ =	shalt  }
0x5a: {  	_ =	shalt  }
0x5b: {  	_ =	shalt  }
0x5c: {  	_ =	shalt  }
0x5d: {  	_ =	shalt  }
0x5e: {  	_ =	shalt  }
0x5f: {  	_ =	shalt  }
0x60: {  	_ =	shalt  }
0x61: {  	_ =	shalt  }
0x62: {  	_ =	shalt  }
0x63: {  	_ =	shalt  }
0x64: {  	_ =	shalt  }
0x65: {  	_ =	shalt  }
0x66: {  	_ =	shalt  }
0x67: {  	_ =	shalt  }
0x68: {  	_ =	shalt  }
0x69: {  	_ =	shalt  }
0x6a: {  	_ =	shalt  }
0x6b: {  	_ =	shalt  }
0x6c: {  	_ =	shalt  }
0x6d: {  	_ =	shalt  }
0x6e: {  	_ =	shalt  }
0x6f: {  	_ =	shalt  }
0x70: {  	_ =	shalt  }
0x71: {  	_ =	shalt  }
0x72: {  	_ =	shalt  }
0x73: {  	_ =	shalt  }
0x74: {  	_ =	shalt  }
0x75: {  	_ =	shalt  }
0x76: {  	_ =	shalt  }
0x77: {  	_ =	shalt  }
0x78: {  	_ =	shalt  }
0x79: {  	_ =	shalt  }
0x7a: {  	_ =	shalt  }
0x7b: {  	_ =	shalt  }
0x7c: {  	_ =	shalt  }
0x7d: {  	_ =	shalt  }
0x7e: {  	_ =	shalt  }
0x7f: {  	_ =	shalt  }
0x80: {  	_ =	shalt  }
0x81: {  	_ =	shalt  }
0x82: {  	_ =	shalt  }
0x83: {  	_ =	shalt  }
0x84: {  	_ =	shalt  }
0x85: {  	_ =	shalt  }
0x86: {  	_ =	shalt  }
0x87: {  	_ =	shalt  }
.Lfunc_end0:
.L_simem_size_0:
called_computation_lowered:
.L_overlay_start_0:
0x88: {  	s2 =	sld [smem:$0x3FD9]  }
0x89: {  	s3 =	sld [smem:$0x3FFE];
	_ =	sdelay $0x1  }
0x8a: {  	s1 =	srdreg.scid  }
0x8b: {  	s0 =	sand.u32 $0x1, s1  }
0x8c: {  	s17 =	sshll.u32 s0, $0xA;
	s2 =	sadd.s32 s3, s2  }
0x8d: {  	s2 =	sadd.s32 s2, s17  }
0x8e: {  	[smem:$0x3FC4] =	sst s2  }
0x8f: {  	_ = 	snop  }
0x90: {  	s2 =	sld [smem:$0x3FC8]  }
0x91: {  	s18 =	sld [smem:$0x3FC7];
	(tm) =	ssettm $0x1  }
0x92: {  	s4 =	sld [smem:$0x3FFB];
	_ =	sdelay $0x3  }
0x93: {  	_ =	strace s4  }
0x94: {  	s4 =	sld [smem:$0x3FFC];
	_ =	sdelay $0x3  }
0x95: {  	_ =	strace s4  }
0x96: {  	s4 =	sld [smem:$0x3FFD];
	_ =	sdelay $0x3  }
0x97: {  	_ =	strace s4  }
0x98: {  	_ =	strace $0x8FFFFFFF  }
0x99: {  	s19 =	sld [smem:$0x3FDB];
	_ =	sdelay $0x1  }
0x9a: {  	s5 =	simm.s32 $_scs_section_size  }
0x9b: {  	s6 =	simm.s32 $_size__tile_overlayer_lowered;
	s7 =	simm.s32 $_tile_overlayer_lowered  }
0x9c: {  	s22 =	simm.s32 $0x1BFF;
	s21 =	sshll.u32 s7, $0x1;
	s4 =	sadd.s32 s5, s19  }
0x9d: {  	s8 =	simm.s32 $0x0;
	s20 =	sshll.u32 s6, $0x1;
	s6 =	sadd.s32 s21, s4  }
0x9e: {  	[timem:s8], [sflag:s22] =	dma.local [hbm:s6], s20  }
0x9f: {  	_ =	swait.ge [sflag:s22], s20  }
0xa0: {  	s5 =	ssub.s32 $0x0, s20;
	[sflag:s22] =	ssyncset.done $0x0  }
0xa1: {  	[sflag:s22] =	ssyncadd.s32 s5;
	_ =	sdelay $0x1  }
0xa2: {  	s23 =	simm.s32 $0x1B8B  }
0xa3: {  	_ =	swait.ge [sflag:s23], $0x1  }
0xa4: {  	[sflag:s23] =	ssyncset.done $0x0  }
0xa5: {  	s25 =	simm.s32 $0x1B8E;
	s24 =	sld [smem:$0x3FFE];
	[sflag:s23] =	ssyncadd.s32 $0xFFFFFFFF  }
0xa6: {  	s26 =	simm.s32 $execute0_lowered;
	[smem:$0x3FD2] =	sst s25  }
0xa7: {  	s6 =	sshll.u32 s26, $0x1;
	_ =	strace $0x80000046;
	[dreg:$0x1] =	wrdreg $0xFFFFFFFF  }
0xa8: {  	s28 =	simm.s32 $_size_execute0_lowered;
	s4 =	sadd.s32 s4, s6;
	[dreg:$0x0] =	wrdreg $0x0  }
0xa9: {  	s6 =	sshll.u32 s28, $0x1;
	[dreg:$0x2] =	wrdreg s4  }
0xaa: {  	[dreg:$0x3] =	wrdreg s6  }
0xab: {  	[dreg:$0x4] =	wrdreg $0xC0  }
0xac: {  	_ =	task [dreg:s8], $0x5FFFF  }
0xad: {  	[dreg:$0x1] =	wrdreg $0xFFFFFFFF  }
0xae: {  	[dreg:$0x0] =	wrdreg $0x60  }
0xaf: {  	[dreg:$0x2] =	wrdreg s2  }
0xb0: {  	[dreg:$0x3] =	wrdreg s18  }
0xb1: {  	[dreg:$0x4] =	wrdreg s24  }
0xb2: {  	[dreg:$0x5] =	wrdreg $0x9  }
0xb3: {  	_ =	task.clear_ibuf [dreg:s8], $0x6FFFF;
	_ =	strace $0x90000046  }
0xb4: {  	s29 =	simm.s32 $0x9;
	_ =	strace $0x80000048  }
0xb5: {  	_ =	swait.ge [sflag:s29], $0x1  }
0xb6: {  	[sflag:s29] =	ssyncadd.s32 $0xFFFFFFFF  }
0xb7: {  	_ =	strace $0x90000048  }
0xb8: {  	_ =	sfence  }
0xb9: {  	s30 =	sld [smem:$0x0];
	_ =	sdelay $0x2  }
0xba: {  	s31 =	sshll.u32 s1, $0xD;
	s1 =	sshrl.u32 s1, $0x2  }
0xbb: {  	s3 =	sand.u32 $0x4000, s31;
	s1 =	sadd.s32 s1, s30  }
0xbc: {  	s0 =	sor.u32 s3, s0;
	s1 =	sshll.u32 s1, $0x11  }
0xbd: {  	s0 =	sor.u32 s1, s0  }
0xbe: {  	s0 =	sadd.s32 $0x8F2B, s0  }
0xbf: {  	[sflag:s0] =	ssyncadd.remote.s32 $0x1  }
0xc0: {  	_ =	sfence.sel $0xFFFF  }
0xc1: {  	[dreg:$0x0] =	wrdreg $0xFFFFFFFF;
	(pc) =	sbr.abs _section_cstart, $3  }
0xc2: {  	[dreg:$0x1] =	wrdreg $0xFFFFFFFF  }
0xc3: {  	_ =	task.clear_ibuf [dreg:s8], $0x2FFFF;
	_ =	strace $0x9FFFFFFF  }
0xc4: {  	(tm) =	ssettm $0x7FFFFFFF  }
0xc5: {  	_ =	shalt  }
tec
execute0_lowered:
.L_overlay_start_1:
0x0: {  	(tag) =	ssettag $0x1  }
0x1: {  	v0 =	vimm.s32 $0x2380;
	vm0 =	vcmask $0x300  }
0x2: {  	vm14 =	vcmask $0x704;
	v0 =	vsel vm0, $0x0, v0  }
0x3: {  	vm15 =	vcmask $0xB08;
	v0 =	vsel vm14, $0x80, v0  }
0x4: {  	vm4 =	vcmask $0xF0C;
	v0 =	vsel vm15, $0x100, v0  }
0x5: {  	vm5 =	vcmask $0x1310;
	v0 =	vsel vm4, $0x180, v0  }
0x6: {  	s4 =	rddreg [dreg:$0x0];
	vm6 =	vcmask $0x1714;
	v0 =	vsel vm5, $0x200, v0  }
0x7: {  	s1 =	rddreg [dreg:$0x1];
	s2 =	srdreg.scid;
	vm7 =	vcmask $0x1B18;
	v0 =	vsel vm6, $0x280, v0  }
0x8: {  	s0 =	stileid.u32;
	s5 =	rddreg [dreg:$0x2];
	vm8 =	vcmask $0x1F1C;
	s3 =	simm.s32 $0x0;
	v0 =	vsel vm7, $0x300, v0  }
0x9: {  	vm9 =	vcmask $0x2320;
	s12 =	simm.s32 $0x900;
	s13 =	simm.s32 $0x80;
	s14 =	simm.s32 $0x400;
	v0 =	vsel vm8, $0x380, v0  }
0xa: {  	vm10 =	vcmask $0x2724;
	s15 =	simm.s32 $0x700;
	s6 =	sand.u32 $0x1, s2;
	s2 =	rddreg [dreg:$0x3];
	v0 =	vsel vm9, $0x2000, v0  }
0xb: {  	vm11 =	vcmask $0x2B28;
	s16 =	simm.s32 $0x0;
	s7 =	sshll.u32 s0, $0x1;
	[smem:$0x7FF] =	sst s3;
	v0 =	vsel vm10, $0x2080, v0  }
0xc: {  	vm12 =	vcmask $0x2F2C;
	s10 =	sshll.u32 s0, $0x7;
	s7 =	sor.u32 s6, s7;
	_ =	strace $0x80000047;
	v0 =	vsel vm11, $0x2100, v0  }
0xd: {  	vm13 =	vcmask $0x3330;
	s10 =	sand.u32 $0x600, s10;
	s6 =	ssub.s32 $0x2, s6;
	s8 =	smul.u32 $0x14, s7;
	v0 =	vsel vm12, $0x2180, v0  }
0xe: {  	v1 =	vlaneseq.u32;
	vm14 =	vcmask $0x3734;
	s9 =	sshll.u32 s7, $0xB;
	s30 =	sshll.u32 s7, $0x4;
	s11 =	sshrl.u32 s6, $0x1;
	v2 =	vsel vm13, $0x2200, v0  }
0xf: {  	s7 =	sshll.u32 s7, $0x6;
	vm15 =	vcmask $0x3B38;
	s9 =	sadd.s32 s9, s5;
	s11 =	ssub.s32 s6, s11;
	v0 =	vmul.u32 $0xA, v1;
	v2 =	vsel vm14, $0x2280, v2  }
0x10: {  	v3 =	vimm.f32 $1.000000000e+00;
	s4 =	sadd.s32 s4, s7;
	s8 =	sadd.s32 s8, s5;
	s5 =	sadd.s32 s10, s5;
	v1 =	vimm.f32 $0.0e+00;
	v2 =	vsel vm15, $0x2300, v2  }
0x11: {  	s10 =	sand.u32 $0x70, s30;
	s6 =	sadd.s32 $0x1800, s9;
	s9 =	simm.s32 $0x1;
	v4 =	vor.u32 $0x1, v0;
	v5 =	vadd.s32 $0x2, v0;
	v6 =	vadd.s32 $0x3, v0  }
0x12: {  	s31 =	sadd.s32 s10, s5;
	s5 =	sadd.s32 $0xC00, s8;
	s8 =	smax.u32 s11, $0x1;
	v7 =	vadd.s32 $0x4, v0;
	v8 =	vadd.s32 $0x5, v0;
	v9 =	vadd.s32 $0x6, v0  }
0x13: {  	s10 =	simm.s32 $0x200;
	s11 =	simm.s32 $0x600;
	s7 =	sadd.s32 $0x1000, s31;
	v10 =	vadd.s32 $0x7, v0;
	v11 =	vadd.s32 $0x8, v0;
	v12 =	vadd.s32 $0x9, v0  }
.LBB2_1:
0x14: {  	[tilespmem:s3], [sflag:$0x1] =	stream.linear.gather [hbm4b:s4+s3], $0x200, $0x38;
	[tilespmem:$0x4900] =	vst v63  }
0x15: {  	_ =	swait.ge [sflag:s9], $0x200  }
0x16: {  	[sflag:s9] =	ssyncset.done $0x0  }
0x17: {  	[sflag:s9] =	ssyncadd.s32 $0xFFFFFE00  }
0x18: {  	[tilespmem:s10], [sflag:$0x1] =	stream.linear.gather [hbm4b:s1+s3], $0x3E8, $0x38;
	[tilespmem:$0x4900] =	vst v63  }
0x19: {  	_ =	swait.ge [sflag:s9], $0x3E8  }
0x1a: {  	[sflag:s9] =	ssyncset.done $0x0  }
0x1b: {  	[sflag:s9] =	ssyncadd.s32 $0xFFFFFC18  }
0x1c: {  	[tilespmem:s11], [sflag:$0x1] =	stream.linear.gather [hbm4b:s5+s3], $0xA0, $0x38;
	[tilespmem:$0x4900] =	vst v63  }
0x1d: {  	_ =	swait.ge [sflag:s9], $0xA0  }
0x1e: {  	[sflag:s9] =	ssyncset.done $0x0  }
0x1f: {  	s17 =	simm.s32 $0x0;
	[sflag:s9] =	ssyncadd.s32 $0xFFFFFF60  }
0x20: {  	v13 =	vld [tilespmem:s17+$0x0];
	_ =	sdelay $0x7  }
0x21: {  	s18 =	simm.s32 $0x10;
	s19 =	simm.s32 $0x80;
	v13 =	vld.idx.msk [tilespmem:v13+s10+$0x0], $0xffff  }
.LBB2_2:
0x22: {  	p0 =	sne.s32 s19, $0x7C0;
	v14 =	vld [tilespmem:s18+$0x0];
	_ =	sdelay $0x3  }
.Ltmp0:
0x23: {  	(pc) =	sbr.rel @p0 .LBB2_2-.Ltmp0, $2  }
0x24: {  	[tilespmem:s17+$0x700] =	vst v13;
	s17 =	smov.u32 s18;
	_ =	sdelay $0x2  }
0x25: {  	s18 =	sshra.s32 s19, $0x2;
	s19 =	sadd.s32 $0x40, s19;
	v13 =	vld.idx.msk [tilespmem:v14+s10+$0x0], $0xffff  }
0x26: {  	v14 =	vld [tilespmem:s18+$0x0];
	_ =	sdelay $0x6  }
0x27: {  	[tilespmem:s17+$0x700] =	vst v13  }
0x28: {  	v13 =	vld.idx.msk [tilespmem:v14+s10+$0x0], $0xffff;
	_ =	sdelay $0x2  }
0x29: {  	s30 =	simm.s32 $0x0  }
0x2a: {  	s19 =	sand.u32 $0x78, s30;
	s17 =	sand.u32 $0x1C00, s30  }
0x2b: {  	s17 =	sor.u32 s19, s17;
	[tilespmem:s18+$0x700] =	vst v13  }
0x2c: {  	[tilespmem:s17+$0x2C80] =	vst v1  }
0x2d: {  	[tilespmem:s17+$0x900] =	vst v1  }
0x2e: {  	[tilespmem:s17+$0x980] =	vst v1  }
0x2f: {  	[tilespmem:s17+$0xA00] =	vst v1  }
0x30: {  	[tilespmem:s17+$0xA80] =	vst v1  }
0x31: {  	[tilespmem:s17+$0xB00] =	vst v1  }
0x32: {  	[tilespmem:s17+$0xB80] =	vst v1  }
0x33: {  	[tilespmem:s17+$0xC00] =	vst v1  }
0x34: {  	[tilespmem:s17+$0xC80] =	vst v1  }
0x35: {  	[tilespmem:s17+$0x2900] =	vst v1  }
0x36: {  	[tilespmem:s17+$0x2980] =	vst v1  }
0x37: {  	[tilespmem:s17+$0x2A00] =	vst v1  }
0x38: {  	[tilespmem:s17+$0x2A80] =	vst v1  }
0x39: {  	s31 =	simm.s32 $0x80;
	s18 =	simm.s32 $0x10;
	[tilespmem:s17+$0x2B00] =	vst v1  }
0x3a: {  	s21 =	sand.u32 $0x1C00, s31;
	s19 =	simm.s32 $0x100;
	s20 =	sand.u32 $0x78, s18;
	[tilespmem:s17+$0x2B80] =	vst v1  }
.LBB2_4:
0x3b: {  	p0 =	sne.s32 s19, $0x1E80;
	[tilespmem:s17+$0x2C00] =	vst v1;
	s17 =	sor.u32 s20, s21  }
0x3c: {  	[tilespmem:s17+$0x2C80] =	vst v1  }
0x3d: {  	[tilespmem:s17+$0x900] =	vst v1  }
0x3e: {  	[tilespmem:s17+$0x980] =	vst v1  }
0x3f: {  	[tilespmem:s17+$0xA00] =	vst v1  }
0x40: {  	[tilespmem:s17+$0xA80] =	vst v1  }
0x41: {  	[tilespmem:s17+$0xB00] =	vst v1  }
0x42: {  	[tilespmem:s17+$0xB80] =	vst v1  }
0x43: {  	[tilespmem:s17+$0xC00] =	vst v1  }
0x44: {  	[tilespmem:s17+$0xC80] =	vst v1  }
0x45: {  	[tilespmem:s17+$0x2900] =	vst v1  }
.Ltmp1:
0x46: {  	[tilespmem:s17+$0x2980] =	vst v1;
	(pc) =	sbr.rel @p0 .LBB2_4-.Ltmp1, $4  }
0x47: {  	[tilespmem:s17+$0x2A00] =	vst v1  }
0x48: {  	[tilespmem:s17+$0x2A80] =	vst v1  }
0x49: {  	s18 =	sadd.s32 $0x10, s18;
	[tilespmem:s17+$0x2B00] =	vst v1  }
0x4a: {  	s21 =	sand.u32 $0x1C00, s19;
	s19 =	sadd.s32 $0x80, s19;
	s20 =	sand.u32 $0x78, s18;
	[tilespmem:s17+$0x2B80] =	vst v1  }
0x4b: {  	s18 =	sor.u32 s20, s21;
	[tilespmem:s17+$0x2C00] =	vst v1  }
0x4c: {  	[tilespmem:s18+$0x2C80] =	vst v1  }
0x4d: {  	[tilespmem:s18+$0x900] =	vst v1  }
0x4e: {  	[tilespmem:s18+$0x980] =	vst v1  }
0x4f: {  	[tilespmem:s18+$0xA00] =	vst v1  }
0x50: {  	[tilespmem:s18+$0xA80] =	vst v1  }
0x51: {  	[tilespmem:s18+$0xB00] =	vst v1  }
0x52: {  	[tilespmem:s18+$0xB80] =	vst v1  }
0x53: {  	[tilespmem:s18+$0xC00] =	vst v1  }
0x54: {  	[tilespmem:s18+$0xC80] =	vst v1  }
0x55: {  	[tilespmem:s18+$0x2900] =	vst v1  }
0x56: {  	[tilespmem:s18+$0x2980] =	vst v1  }
0x57: {  	[tilespmem:s18+$0x2A00] =	vst v1  }
0x58: {  	[tilespmem:s18+$0x2A80] =	vst v1  }
0x59: {  	[tilespmem:s18+$0x2B00] =	vst v1  }
0x5a: {  	[tilespmem:s18+$0x2B80] =	vst v1  }
0x5b: {  	[tilespmem:s18+$0x2C00] =	vst v1  }
0x5c: {  	[tilespmem:$0x2558] =	vst v1  }
0x5d: {  	[tilespmem:$0x25D8] =	vst v1  }
0x5e: {  	[tilespmem:$0x2658] =	vst v1  }
0x5f: {  	[tilespmem:$0x26D8] =	vst v1  }
0x60: {  	[tilespmem:$0x2758] =	vst v1  }
0x61: {  	[tilespmem:$0x27D8] =	vst v1  }
0x62: {  	[tilespmem:$0x2858] =	vst v1  }
0x63: {  	[tilespmem:$0x28D8] =	vst v1  }
0x64: {  	[tilespmem:$0x4558] =	vst v1  }
0x65: {  	[tilespmem:$0x45D8] =	vst v1  }
0x66: {  	[tilespmem:$0x4658] =	vst v1  }
0x67: {  	[tilespmem:$0x46D8] =	vst v1  }
0x68: {  	[tilespmem:$0x4758] =	vst v1  }
0x69: {  	[tilespmem:$0x47D8] =	vst v1  }
0x6a: {  	[tilespmem:$0x4858] =	vst v1  }
0x6b: {  	[tilespmem:$0x48D8] =	vst v1  }
0x6c: {  	v13 =	vld.idx.msk [tilespmem:v0+s11+$0x0], $0xffff;
	_ =	sdelay $0x4  }
0x6d: {  	v14 =	vshll.u32 v13, $0x3  }
0x6e: {  	v13 =	vand.u32 $0x7F, v13;
	v14 =	vand.u32 $0xFFFFFC00, v14  }
0x6f: {  	v13 =	vor.u32 v13, v14  }
0x70: {  	v13 =	vadd.s32 v2, v13;
	_ =	sdelay $0x4  }
0x71: {  	[tilespmem:v13+s12+$0x0] =	vst.idx.add.f32.msk $0xffff, v3  }
0x72: {  	v13 =	vld.idx.msk [tilespmem:v4+s11+$0x0], $0xffff;
	_ =	sdelay $0x4  }
0x73: {  	v14 =	vshll.u32 v13, $0x3  }
0x74: {  	v13 =	vand.u32 $0x7F, v13;
	v14 =	vand.u32 $0xFFFFFC00, v14  }
0x75: {  	v13 =	vor.u32 v13, v14  }
0x76: {  	v13 =	vadd.s32 v2, v13;
	_ =	sdelay $0x4  }
0x77: {  	[tilespmem:v13+s12+$0x0] =	vst.idx.add.f32.msk $0xffff, v3  }
0x78: {  	v13 =	vld.idx.msk [tilespmem:v5+s11+$0x0], $0xffff;
	_ =	sdelay $0x4  }
0x79: {  	v14 =	vshll.u32 v13, $0x3  }
0x7a: {  	v13 =	vand.u32 $0x7F, v13;
	v14 =	vand.u32 $0xFFFFFC00, v14  }
0x7b: {  	v13 =	vor.u32 v13, v14  }
0x7c: {  	v13 =	vadd.s32 v2, v13;
	_ =	sdelay $0x4  }
0x7d: {  	[tilespmem:v13+s12+$0x0] =	vst.idx.add.f32.msk $0xffff, v3  }
0x7e: {  	v13 =	vld.idx.msk [tilespmem:v6+s11+$0x0], $0xffff;
	_ =	sdelay $0x4  }
0x7f: {  	v14 =	vshll.u32 v13, $0x3  }
0x80: {  	v13 =	vand.u32 $0x7F, v13;
	v14 =	vand.u32 $0xFFFFFC00, v14  }
0x81: {  	v13 =	vor.u32 v13, v14  }
0x82: {  	v13 =	vadd.s32 v2, v13;
	_ =	sdelay $0x4  }
0x83: {  	[tilespmem:v13+s12+$0x0] =	vst.idx.add.f32.msk $0xffff, v3  }
0x84: {  	v13 =	vld.idx.msk [tilespmem:v7+s11+$0x0], $0xffff;
	_ =	sdelay $0x4  }
0x85: {  	v14 =	vshll.u32 v13, $0x3  }
0x86: {  	v13 =	vand.u32 $0x7F, v13;
	v14 =	vand.u32 $0xFFFFFC00, v14  }
0x87: {  	v13 =	vor.u32 v13, v14  }
0x88: {  	v13 =	vadd.s32 v2, v13;
	_ =	sdelay $0x4  }
0x89: {  	[tilespmem:v13+s12+$0x0] =	vst.idx.add.f32.msk $0xffff, v3  }
0x8a: {  	v13 =	vld.idx.msk [tilespmem:v8+s11+$0x0], $0xffff;
	_ =	sdelay $0x4  }
0x8b: {  	v14 =	vshll.u32 v13, $0x3  }
0x8c: {  	v13 =	vand.u32 $0x7F, v13;
	v14 =	vand.u32 $0xFFFFFC00, v14  }
0x8d: {  	v13 =	vor.u32 v13, v14  }
0x8e: {  	v13 =	vadd.s32 v2, v13;
	_ =	sdelay $0x4  }
0x8f: {  	[tilespmem:v13+s12+$0x0] =	vst.idx.add.f32.msk $0xffff, v3  }
0x90: {  	v13 =	vld.idx.msk [tilespmem:v9+s11+$0x0], $0xffff;
	_ =	sdelay $0x4  }
0x91: {  	v14 =	vshll.u32 v13, $0x3  }
0x92: {  	v13 =	vand.u32 $0x7F, v13;
	v14 =	vand.u32 $0xFFFFFC00, v14  }
0x93: {  	v13 =	vor.u32 v13, v14  }
0x94: {  	v13 =	vadd.s32 v2, v13;
	_ =	sdelay $0x4  }
0x95: {  	[tilespmem:v13+s12+$0x0] =	vst.idx.add.f32.msk $0xffff, v3  }
0x96: {  	v13 =	vld.idx.msk [tilespmem:v10+s11+$0x0], $0xffff;
	_ =	sdelay $0x4  }
0x97: {  	v14 =	vshll.u32 v13, $0x3  }
0x98: {  	v13 =	vand.u32 $0x7F, v13;
	v14 =	vand.u32 $0xFFFFFC00, v14  }
0x99: {  	v13 =	vor.u32 v13, v14  }
0x9a: {  	v13 =	vadd.s32 v2, v13;
	_ =	sdelay $0x4  }
0x9b: {  	[tilespmem:v13+s12+$0x0] =	vst.idx.add.f32.msk $0xffff, v3  }
0x9c: {  	v13 =	vld.idx.msk [tilespmem:v11+s11+$0x0], $0xffff;
	_ =	sdelay $0x4  }
0x9d: {  	v14 =	vshll.u32 v13, $0x3  }
0x9e: {  	v13 =	vand.u32 $0x7F, v13;
	v14 =	vand.u32 $0xFFFFFC00, v14  }
0x9f: {  	v13 =	vor.u32 v13, v14  }
0xa0: {  	v13 =	vadd.s32 v2, v13;
	_ =	sdelay $0x4  }
0xa1: {  	[tilespmem:v13+s12+$0x0] =	vst.idx.add.f32.msk $0xffff, v3  }
0xa2: {  	v13 =	vld.idx.msk [tilespmem:v12+s11+$0x0], $0xffff;
	_ =	sdelay $0x4  }
0xa3: {  	v14 =	vshll.u32 v13, $0x3  }
0xa4: {  	v13 =	vand.u32 $0x7F, v13;
	v14 =	vand.u32 $0xFFFFFC00, v14  }
0xa5: {  	v13 =	vor.u32 v13, v14  }
0xa6: {  	v13 =	vadd.s32 v2, v13;
	_ =	sdelay $0x4  }
0xa7: {  	[tilespmem:v13+s12+$0x0] =	vst.idx.add.f32.msk $0xffff, v3  }
0xa8: {  	[hbm4b:s6+s3] =	stream.linear.scatter [tilespmem:s12], [sflag:$0x1], $0x4000, $0x38;
	[tilespmem:$0x4900] =	vst v63  }
0xa9: {  	s16 =	sadd.s32 $0x1, s16;
	_ =	swait.ge [sflag:s9], $0x4000  }
0xaa: {  	p0 =	sne.s32 s16, s8;
	[sflag:s9] =	ssyncset.done $0x0  }
.Ltmp2:
0xab: {  	[sflag:s9] =	ssyncadd.s32 $0xFFFFC000;
	(pc) =	sbr.rel @p0 .LBB2_1-.Ltmp2, $4  }
0xac: {  	[hbm4b:s7+s13] =	stream.strided.scatter [tilespmem:s15], [sflag:$0x1], $0x200, s14, s13, $0x38;
	[tilespmem:$0x4900] =	vst v63  }
0xad: {  	_ =	swait.ge [sflag:s9], $0x200  }
0xae: {  	[sflag:s9] =	ssyncset.done $0x0  }
0xaf: {  	[sflag:s9] =	ssyncadd.s32 $0xFFFFFE00  }
0xb0: {  	_ =	sfence.sel $0x180000  }
0xb1: {  	[bflag:$0x0] =	sbarrier.arrive $0xFFFF  }
0xb2: {  	p0 =	sne.s32 s0, $0x0;
	_ =	strace $0x90000047  }
0xb3: {  	s0 =	sadd.s32 @!p0 $0x100000, s2;
	[bflag:$0x2] =	sbarrier.arrive $0xFFFF  }
0xb4: {  	[sflag:s0] =	ssyncadd.tile.s32 @!p0 $0x1;
	_ =	shalt  }
.Lfunc_end2:
_tile_overlayer_lowered:
.L_overlay_start_2:
0xb5: {  	(tag) =	ssettag $0x2  }
0xb6: {  	s0 =	rddreg [dreg:$0x0];
	s2 =	stileid.u32  }
0xb7: {  	s1 =	rddreg [dreg:$0x1];
	p0 =	sne.s32 s2, $0x0  }
0xb8: {  	s3 =	rddreg [dreg:$0x2];
	[bflag:$0x3] =	sbarrier.arrive $0xFFFF;
	s2 =	simm.s32 @!p0 $0x1C01  }
0xb9: {  	[timem:s3], [sflag:s2] =	dma.local @!p0 [hbm:s0], s1  }
0xba: {  	s0 =	simm.s32 @!p0 $0x1  }
0xbb: {  	_ =	swait.ge @!p0 [sflag:s0], s1  }
0xbc: {  	s1 =	ssub.s32 @!p0 $0x0, s1;
	[sflag:s0] =	ssyncset.done @!p0 $0x0  }
0xbd: {  	[sflag:s0] =	ssyncadd.s32 @!p0 s1  }
0xbe: {  	[bflag:$0x3] =	sbarrier.arrive $0xFFFF  }
0xbf: {  	_ =	shalt  }

</sc_bundles>
